<compile_context>
chip_gen: v7x
topology: tpu7x:2x2x1
jax: 0.10.2.dev20260603
libtpu: 0.0.44.dev20260713+nightly
codegen_flags: <defaults>
</compile_context>

<pallas_src>
import functools

import numpy as np
import jax
import jax.numpy as jnp
from jax import lax
from jax.experimental import pallas as pl
from jax.experimental.pallas import tpu as pltpu
from jax.experimental.pallas import tpu_sc as plsc

B = 256
C = 256
H = 25
W = 25
CROP = 7
ADD_U = 12
NC = 2
NS = 16
NW = NC * NS
BPW = B // NW
CH = C // 2
IMG = H * W
BLK = CH * IMG
OUT_PER_CHUNK = CH * CROP * CROP
NVREG = OUT_PER_CHUNK // 16
CHUNKS = BPW * 2

_o = np.arange(OUT_PER_CHUNK)
_PCB = ((_o // (CROP * CROP)) * IMG).astype(np.int32)
_PI = ((_o % (CROP * CROP)) // CROP).astype(np.int32)
_PJ = (_o % CROP).astype(np.int32)


def _sc_body(inp, scal, pcb, pi, pj, mf, out, buf, obuf, pcbv, piv, pjv, mfv,
             sv):
    wid = lax.axis_index("s") * NC + lax.axis_index("c")
    pltpu.sync_copy(pcb, pcbv)
    pltpu.sync_copy(pi, piv)
    pltpu.sync_copy(pj, pjv)
    pltpu.sync_copy(mf, mfv)
    pltpu.sync_copy(scal.at[pl.ds(wid * 16, 16)], sv)
    lanes = lax.iota(jnp.int32, 16)

    def chunk_body(g, carry):
        k = g // 2
        h = g % 2
        b = wid * BPW + k
        va = sv[pl.ds(0, 16)]
        u3 = jnp.sum(jnp.where(lanes == k, va, 0))
        vm3 = jnp.sum(jnp.where(lanes == k + 8, va, 0))
        pltpu.sync_copy(inp.at[pl.ds(b * (2 * BLK) + h * BLK, BLK)], buf)

        @plsc.parallel_loop(0, NVREG, unroll=8)
        def vreg_body(t):
            s = pl.ds(t * 16, 16)
            ir = piv[s] + u3
            ij = pjv[s] + vm3
            ok = (ir <= H - 1) & (ij >= 0)
            idx = (pcbv[s] + jnp.minimum(ir, H - 1) * W + jnp.maximum(ij, 0))
            val = plsc.load_gather(buf, [idx])
            obuf[s] = jnp.where(ok, val, 0.0) * mfv[s]

        pltpu.sync_copy(
            obuf,
            out.at[pl.ds(b * (2 * OUT_PER_CHUNK) + h * OUT_PER_CHUNK,
                         OUT_PER_CHUNK)])
        return carry

    lax.fori_loop(0, CHUNKS, chunk_body, 0)


def kernel(input_tensor, center_positions, mask, crop_mask):
    r = center_positions[:, 0].astype(jnp.int32)
    q = center_positions[:, 1].astype(jnp.int32)
    u3 = r - q // 2 + ADD_U - (CROP - 1) // 2
    vm3 = q - (CROP - 1) // 2
    scal = jnp.concatenate(
        [u3.reshape(NW, BPW), vm3.reshape(NW, BPW)], axis=1)
    scal = scal.astype(jnp.int32).reshape(-1)

    mask_factor = jnp.where(
        mask != 0, crop_mask, jnp.ones_like(crop_mask)).astype(jnp.float32)
    mf = jnp.tile(mask_factor.reshape(-1), CH)

    run = pl.kernel(
        _sc_body,
        out_type=jax.ShapeDtypeStruct((B * C * CROP * CROP,), jnp.float32),
        mesh=plsc.VectorSubcoreMesh(
            core_axis_name="c", subcore_axis_name="s",
            num_cores=NC, num_subcores=NS),
        compiler_params=pltpu.CompilerParams(use_tc_tiling_on_sc=False,
                                             needs_layout_passes=False),
        scratch_types=[
            pltpu.VMEM((BLK,), jnp.float32),
            pltpu.VMEM((OUT_PER_CHUNK,), jnp.float32),
            pltpu.VMEM((OUT_PER_CHUNK,), jnp.int32),
            pltpu.VMEM((OUT_PER_CHUNK,), jnp.int32),
            pltpu.VMEM((OUT_PER_CHUNK,), jnp.int32),
            pltpu.VMEM((OUT_PER_CHUNK,), jnp.float32),
            pltpu.VMEM((16,), jnp.int32),
        ],
    )
    out_flat = run(input_tensor.reshape(-1), scal, jnp.asarray(_PCB),
                   jnp.asarray(_PI), jnp.asarray(_PJ), mf)
    return (out_flat.reshape(B, C, CROP, CROP), crop_mask)

# --- scband reference (transcript-rebuilt; emitter-appended) ---
"""Pipeline reference for scband-hex-crop-2783138808256 (READ-ONLY COPY).

The authoritative reference and input builder live on the scoring server;
editing this copy changes nothing except your own understanding.
"""

import jax, jax.numpy as jnp
import numpy as np

CROP_SIZE = 7
ENV_SIZE = 25


def _get_hex_conv_mask(kernel_size):
    mask = np.ones((kernel_size, kernel_size), dtype=np.float32)
    cutoff_amount = (kernel_size - 1) // 2
    for i in range(cutoff_amount):
        for j in range(cutoff_amount - i):
            mask[i][j] = 0.0
            mask[kernel_size - 1 - i][kernel_size - 1 - j] = 0.0
    return jnp.asarray(mask)


def setup_inputs(seed: int = 0):
    key = jax.random.key(seed)
    k1, k2 = jax.random.split(key)
    input_tensor = jax.random.normal(k1, (256, 256, 25, 25), dtype=jnp.float32)
    # restrict r, q to [0, 12] so u_pos = r - q//2 + 12 stays within [0, H-1]
    center_positions = jax.random.randint(k2, (256, 2), 0, 13)
    crop_mask = _get_hex_conv_mask(CROP_SIZE)
    return {
        "input_tensor": input_tensor,
        "center_positions": center_positions,
        "mask": 1,
        "crop_mask": crop_mask,
    }


def reference(input_tensor, center_positions, mask, crop_mask):
    crop_size = CROP_SIZE
    env_size = ENV_SIZE
    batch_size, num_channels, height, width = input_tensor.shape
    crop_center = (crop_size - 1) // 2
    padded_state = jnp.pad(
        input_tensor,
        ((0, 0), (0, 0), (crop_center, crop_center), (crop_center, crop_center)),
    )
    r_pos = center_positions[:, 0]
    q_pos = center_positions[:, 1]
    v_pos = q_pos
    add_u = (env_size - 1) // 2
    u_pos = r_pos - v_pos // 2 + add_u
    us = jnp.stack([u_pos + (slack - crop_center) for slack in range(crop_size)], 0)
    us = us[:, None, :]
    us = jnp.tile(us, (1, crop_size, 1)).astype(jnp.int32)
    us = us + crop_center
    vs = jnp.stack([v_pos + (slack - crop_center) for slack in range(crop_size)], 0)
    vs = vs[None, :, :]
    vs = jnp.tile(vs, (crop_size, 1, 1)).astype(jnp.int32)
    vs = vs + crop_center
    batch_indices = jnp.arange(batch_size, dtype=jnp.int32)[None, None, :]
    batch_indices = jnp.tile(batch_indices, (crop_size, crop_size, 1))
    cropped_square = padded_state[batch_indices, :, us, vs]  # (crop, crop, B, C)
    cropped_square = jnp.transpose(cropped_square, (2, 3, 0, 1))  # (B, C, crop, crop)
    mask_factor = jnp.where(mask != 0, crop_mask, jnp.ones_like(crop_mask))
    cropped_square = cropped_square * mask_factor
    return (cropped_square, crop_mask)

if __name__ == "__main__":
    import jax
    _d = setup_inputs()
    print(jax.jit(kernel)(*tuple(_d.values())))

</pallas_src>

<mosaic_0001>
#map = affine_map<(d0, d1) -> (0)>
module attributes {stable_mosaic.version = 14 : i64} {
  func.func @_sc_body(%arg0: i32, %arg1: i32, %arg2: memref<40960000xf32, #tpu.memory_space<hbm>>, %arg3: memref<512xi32, #tpu.memory_space<hbm>>, %arg4: memref<6272xi32, #tpu.memory_space<hbm>>, %arg5: memref<6272xi32, #tpu.memory_space<hbm>>, %arg6: memref<6272xi32, #tpu.memory_space<hbm>>, %arg7: memref<6272xf32, #tpu.memory_space<hbm>>, %arg8: memref<3211264xf32, #tpu.memory_space<hbm>>, %arg9: memref<80000xf32, #tpu.memory_space<vmem>>, %arg10: memref<6272xf32, #tpu.memory_space<vmem>>, %arg11: memref<6272xi32, #tpu.memory_space<vmem>>, %arg12: memref<6272xi32, #tpu.memory_space<vmem>>, %arg13: memref<6272xi32, #tpu.memory_space<vmem>>, %arg14: memref<6272xf32, #tpu.memory_space<vmem>>, %arg15: memref<16xi32, #tpu.memory_space<vmem>>) attributes {dimension_semantics = [#tpu.dimension_semantics<core_parallel>, #tpu.dimension_semantics<subcore_parallel>], iteration_bounds = array<i64: 2, 16>, scalar_prefetch = 0 : i64, scratch_operands = 7 : i64, tpu.core_type = #tpu.core_type<sc_vector_subcore>, window_params = [{transform_indices = #map}, {transform_indices = #map}, {transform_indices = #map}, {transform_indices = #map}, {transform_indices = #map}, {transform_indices = #map}, {transform_indices = #map}]} {
    %mul3A = arith.constant 2 : i32
    %mul3A_0 = arith.muli %arg1, %mul3A : i32
    %add3A = arith.addi %mul3A_0, %arg0 : i32
    "tpu.region"() ({
      %run_scoped3A = tpu.sem_alloc : memref<!tpu.dma_semaphore, #tpu.memory_space<semaphore_mem>>
      tpu.enqueue_dma source(%arg4 : memref<6272xi32, #tpu.memory_space<hbm>>) target(%arg11 : memref<6272xi32, #tpu.memory_space<vmem>>) target_semaphore(%run_scoped3A : memref<!tpu.dma_semaphore, #tpu.memory_space<semaphore_mem>>)
      tpu.wait_dma2 semaphore(%run_scoped3A : memref<!tpu.dma_semaphore, #tpu.memory_space<semaphore_mem>>) src(%arg4 : memref<6272xi32, #tpu.memory_space<hbm>>) dst(%arg11 : memref<6272xi32, #tpu.memory_space<vmem>>)
      tpu.yield
    }) : () -> ()
    "tpu.region"() ({
      %run_scoped3A = tpu.sem_alloc : memref<!tpu.dma_semaphore, #tpu.memory_space<semaphore_mem>>
      tpu.enqueue_dma source(%arg5 : memref<6272xi32, #tpu.memory_space<hbm>>) target(%arg12 : memref<6272xi32, #tpu.memory_space<vmem>>) target_semaphore(%run_scoped3A : memref<!tpu.dma_semaphore, #tpu.memory_space<semaphore_mem>>)
      tpu.wait_dma2 semaphore(%run_scoped3A : memref<!tpu.dma_semaphore, #tpu.memory_space<semaphore_mem>>) src(%arg5 : memref<6272xi32, #tpu.memory_space<hbm>>) dst(%arg12 : memref<6272xi32, #tpu.memory_space<vmem>>)
      tpu.yield
    }) : () -> ()
    "tpu.region"() ({
      %run_scoped3A = tpu.sem_alloc : memref<!tpu.dma_semaphore, #tpu.memory_space<semaphore_mem>>
      tpu.enqueue_dma source(%arg6 : memref<6272xi32, #tpu.memory_space<hbm>>) target(%arg13 : memref<6272xi32, #tpu.memory_space<vmem>>) target_semaphore(%run_scoped3A : memref<!tpu.dma_semaphore, #tpu.memory_space<semaphore_mem>>)
      tpu.wait_dma2 semaphore(%run_scoped3A : memref<!tpu.dma_semaphore, #tpu.memory_space<semaphore_mem>>) src(%arg6 : memref<6272xi32, #tpu.memory_space<hbm>>) dst(%arg13 : memref<6272xi32, #tpu.memory_space<vmem>>)
      tpu.yield
    }) : () -> ()
    "tpu.region"() ({
      %run_scoped3A = tpu.sem_alloc : memref<!tpu.dma_semaphore, #tpu.memory_space<semaphore_mem>>
      tpu.enqueue_dma source(%arg7 : memref<6272xf32, #tpu.memory_space<hbm>>) target(%arg14 : memref<6272xf32, #tpu.memory_space<vmem>>) target_semaphore(%run_scoped3A : memref<!tpu.dma_semaphore, #tpu.memory_space<semaphore_mem>>)
      tpu.wait_dma2 semaphore(%run_scoped3A : memref<!tpu.dma_semaphore, #tpu.memory_space<semaphore_mem>>) src(%arg7 : memref<6272xf32, #tpu.memory_space<hbm>>) dst(%arg14 : memref<6272xf32, #tpu.memory_space<vmem>>)
      tpu.yield
    }) : () -> ()
    %mul3A_1 = arith.constant 16 : i32
    %mul3A_2 = arith.muli %add3A, %mul3A_1 : i32
    "tpu.region"() ({
      %run_scoped3A = tpu.sem_alloc : memref<!tpu.dma_semaphore, #tpu.memory_space<semaphore_mem>>
      %dma_start3A = tpu.memref_slice %arg3[%mul3A_2] : memref<512xi32, #tpu.memory_space<hbm>> -> memref<16xi32, #tpu.memory_space<hbm>>
      %dma_start3A_8 = tpu.memref_slice %arg3[%mul3A_2] : memref<512xi32, #tpu.memory_space<hbm>> -> memref<16xi32, #tpu.memory_space<hbm>>
      tpu.enqueue_dma source(%dma_start3A_8 : memref<16xi32, #tpu.memory_space<hbm>>) target(%arg15 : memref<16xi32, #tpu.memory_space<vmem>>) target_semaphore(%run_scoped3A : memref<!tpu.dma_semaphore, #tpu.memory_space<semaphore_mem>>)
      %dma_wait3A = tpu.memref_slice %arg3[%mul3A_2] : memref<512xi32, #tpu.memory_space<hbm>> -> memref<16xi32, #tpu.memory_space<hbm>>
      %dma_wait3A_9 = tpu.memref_slice %arg3[%mul3A_2] : memref<512xi32, #tpu.memory_space<hbm>> -> memref<16xi32, #tpu.memory_space<hbm>>
      tpu.wait_dma2 semaphore(%run_scoped3A : memref<!tpu.dma_semaphore, #tpu.memory_space<semaphore_mem>>) src(%dma_wait3A_9 : memref<16xi32, #tpu.memory_space<hbm>>) dst(%arg15 : memref<16xi32, #tpu.memory_space<vmem>>)
      tpu.yield
    }) : () -> ()
    %iota3A = tpu.iota {dimensions = array<i32: 0>} : vector<16xi32>
    %scan3A = arith.constant 0 : i32
    %scan3A_3 = arith.constant 0 : i32
    %scan3A_4 = arith.constant 16 : i32
    %scan3A_5 = arith.addi %scan3A_3, %scan3A_4 : i32
    %scan3A_6 = arith.constant 1 : i32
    scf.for %scan3A_8 = %scan3A_3 to %scan3A_5 step %scan3A_6  : i32 {
      %jit3A = arith.constant 2 : i32
      %div3A = arith.divsi %scan3A_8, %jit3A : i32
      %sign3A = arith.constant 0 : i32
      %sign3A_9 = arith.cmpi sgt, %scan3A_8, %sign3A : i32
      %sign3A_10 = arith.extui %sign3A_9 : i1 to i32
      %sign3A_11 = arith.constant 0 : i32
      %sign3A_12 = arith.cmpi slt, %scan3A_8, %sign3A_11 : i32
      %sign3A_13 = arith.extui %sign3A_12 : i1 to i32
      %sign3A_14 = arith.subi %sign3A_10, %sign3A_13 : i32
      %sign3A_15 = arith.constant 0 : i32
      %sign3A_16 = arith.cmpi sgt, %jit3A, %sign3A_15 : i32
      %sign3A_17 = arith.extui %sign3A_16 : i1 to i32
      %sign3A_18 = arith.constant 0 : i32
      %sign3A_19 = arith.cmpi slt, %jit3A, %sign3A_18 : i32
      %sign3A_20 = arith.extui %sign3A_19 : i1 to i32
      %sign3A_21 = arith.subi %sign3A_17, %sign3A_20 : i32
      %ne3A = arith.cmpi ne, %sign3A_14, %sign3A_21 : i32
      %rem3A = arith.remsi %scan3A_8, %jit3A : i32
      %ne3A_22 = arith.constant 0 : i32
      %ne3A_23 = arith.cmpi ne, %rem3A, %ne3A_22 : i32
      %and3A = arith.andi %ne3A, %ne3A_23 : i1
      %sub3A = arith.constant 1 : i32
      %sub3A_24 = arith.subi %div3A, %sub3A : i32
      %select_n3A = arith.select %and3A, %sub3A_24, %div3A : i32
      %jit3A_25 = arith.constant 2 : i32
      %eq3A = arith.constant 0 : i32
      %eq3A_26 = arith.cmpi eq, %jit3A_25, %eq3A : i32
      %jit3A_27 = arith.constant 1 : i32
      %select_n3A_28 = arith.select %eq3A_26, %jit3A_27, %jit3A_25 : i32
      %rem3A_29 = arith.remsi %scan3A_8, %select_n3A_28 : i32
      %ne3A_30 = arith.constant 0 : i32
      %ne3A_31 = arith.cmpi ne, %rem3A_29, %ne3A_30 : i32
      %lt3A = arith.constant 0 : i32
      %lt3A_32 = arith.cmpi slt, %rem3A_29, %lt3A : i32
      %lt3A_33 = arith.constant 0 : i32
      %lt3A_34 = arith.cmpi slt, %select_n3A_28, %lt3A_33 : i32
      %ne3A_35 = arith.xori %lt3A_32, %lt3A_34 : i1
      %and3A_36 = arith.andi %ne3A_35, %ne3A_31 : i1
      %add3A_37 = arith.addi %rem3A_29, %select_n3A_28 : i32
      %select_n3A_38 = arith.select %and3A_36, %add3A_37, %rem3A_29 : i32
      %mul3A_39 = arith.constant 8 : i32
      %mul3A_40 = arith.muli %add3A, %mul3A_39 : i32
      %add3A_41 = arith.addi %mul3A_40, %select_n3A : i32
      %get3A = arith.constant 0 : index
      %get3A_42 = tpu.vector_load %arg15[%get3A] {strides = array<i32>} : memref<16xi32, #tpu.memory_space<vmem>>, vector<16xi32>,
      %eq3A_43 = vector.broadcast %select_n3A : i32 to vector<16xi32>
      %eq3A_44 = arith.cmpi eq, %iota3A, %eq3A_43 : vector<16xi32>
      %jit3A_45 = arith.constant 0 : i32
      %broadcast_in_dim3A = vector.broadcast %jit3A_45 : i32 to vector<16xi32>
      %select_n3A_46 = arith.select %eq3A_44, %get3A_42, %broadcast_in_dim3A : vector<16xi1>, vector<16xi32>
      %reduce_sum3A = arith.constant true
      %reduce_sum3A_47 = vector.broadcast %reduce_sum3A : i1 to vector<16xi1>
      %reduce_sum3A_48 = tpu.scan <sum>, %select_n3A_46 masked %reduce_sum3A_47 : vector<16xi32>, vector<16xi1> -> vector<16xi32>
      %reduce_sum3A_49 = vector.extract %reduce_sum3A_48[15] : i32 from vector<16xi32>
      %add3A_50 = arith.constant 8 : i32
      %add3A_51 = arith.addi %select_n3A, %add3A_50 : i32
      %eq3A_52 = vector.broadcast %add3A_51 : i32 to vector<16xi32>
      %eq3A_53 = arith.cmpi eq, %iota3A, %eq3A_52 : vector<16xi32>
      %jit3A_54 = arith.constant 0 : i32
      %broadcast_in_dim3A_55 = vector.broadcast %jit3A_54 : i32 to vector<16xi32>
      %select_n3A_56 = arith.select %eq3A_53, %get3A_42, %broadcast_in_dim3A_55 : vector<16xi1>, vector<16xi32>
      %reduce_sum3A_57 = arith.constant true
      %reduce_sum3A_58 = vector.broadcast %reduce_sum3A_57 : i1 to vector<16xi1>
      %reduce_sum3A_59 = tpu.scan <sum>, %select_n3A_56 masked %reduce_sum3A_58 : vector<16xi32>, vector<16xi1> -> vector<16xi32>
      %reduce_sum3A_60 = vector.extract %reduce_sum3A_59[15] : i32 from vector<16xi32>
      %mul3A_61 = arith.constant 160000 : i32
      %mul3A_62 = arith.muli %add3A_41, %mul3A_61 : i32
      %mul3A_63 = arith.constant 80000 : i32
      %mul3A_64 = arith.muli %select_n3A_38, %mul3A_63 : i32
      %add3A_65 = arith.addi %mul3A_62, %mul3A_64 : i32
      "tpu.region"() ({
        %run_scoped3A = tpu.sem_alloc : memref<!tpu.dma_semaphore, #tpu.memory_space<semaphore_mem>>
        %dma_start3A = tpu.memref_slice %arg2[%add3A_65] : memref<40960000xf32, #tpu.memory_space<hbm>> -> memref<80000xf32, #tpu.memory_space<hbm>>
        %dma_start3A_73 = tpu.memref_slice %arg2[%add3A_65] : memref<40960000xf32, #tpu.memory_space<hbm>> -> memref<80000xf32, #tpu.memory_space<hbm>>
        tpu.enqueue_dma source(%dma_start3A_73 : memref<80000xf32, #tpu.memory_space<hbm>>) target(%arg9 : memref<80000xf32, #tpu.memory_space<vmem>>) target_semaphore(%run_scoped3A : memref<!tpu.dma_semaphore, #tpu.memory_space<semaphore_mem>>)
        %dma_wait3A = tpu.memref_slice %arg2[%add3A_65] : memref<40960000xf32, #tpu.memory_space<hbm>> -> memref<80000xf32, #tpu.memory_space<hbm>>
        %dma_wait3A_74 = tpu.memref_slice %arg2[%add3A_65] : memref<40960000xf32, #tpu.memory_space<hbm>> -> memref<80000xf32, #tpu.memory_space<hbm>>
        tpu.wait_dma2 semaphore(%run_scoped3A : memref<!tpu.dma_semaphore, #tpu.memory_space<semaphore_mem>>) src(%dma_wait3A_74 : memref<80000xf32, #tpu.memory_space<hbm>>) dst(%arg9 : memref<80000xf32, #tpu.memory_space<vmem>>)
        tpu.yield
      }) : () -> ()
      %parallel_loop3A = arith.constant 0 : i32
      %parallel_loop3A_66 = arith.constant 392 : i32
      %parallel_loop3A_67 = arith.constant 1 : i32
      scf.for %parallel_loop3A_73 = %parallel_loop3A to %parallel_loop3A_66 step %parallel_loop3A_67  : i32 {
        %parallel_loop3A_74 = arith.constant 16 : i32
        %parallel_loop3A_75 = arith.muli %parallel_loop3A_73, %parallel_loop3A_74 : i32
        %parallel_loop3A_76 = arith.index_cast %parallel_loop3A_75 : i32 to index
        %parallel_loop3A_77 = tpu.vector_load %arg12[%parallel_loop3A_76] {strides = array<i32>} : memref<6272xi32, #tpu.memory_space<vmem>>, vector<16xi32>,
        %parallel_loop3A_78 = vector.broadcast %reduce_sum3A_49 : i32 to vector<16xi32>
        %parallel_loop3A_79 = arith.addi %parallel_loop3A_77, %parallel_loop3A_78 : vector<16xi32>
        %parallel_loop3A_80 = arith.index_cast %parallel_loop3A_75 : i32 to index
        %parallel_loop3A_81 = tpu.vector_load %arg13[%parallel_loop3A_80] {strides = array<i32>} : memref<6272xi32, #tpu.memory_space<vmem>>, vector<16xi32>,
        %parallel_loop3A_82 = vector.broadcast %reduce_sum3A_60 : i32 to vector<16xi32>
        %parallel_loop3A_83 = arith.addi %parallel_loop3A_81, %parallel_loop3A_82 : vector<16xi32>
        %parallel_loop3A_84 = arith.constant 24 : i32
        %parallel_loop3A_85 = vector.broadcast %parallel_loop3A_84 : i32 to vector<16xi32>
        %parallel_loop3A_86 = arith.cmpi sle, %parallel_loop3A_79, %parallel_loop3A_85 : vector<16xi32>
        %parallel_loop3A_87 = arith.constant 0 : i32
        %parallel_loop3A_88 = vector.broadcast %parallel_loop3A_87 : i32 to vector<16xi32>
        %parallel_loop3A_89 = arith.cmpi sge, %parallel_loop3A_83, %parallel_loop3A_88 : vector<16xi32>
        %parallel_loop3A_90 = arith.andi %parallel_loop3A_86, %parallel_loop3A_89 : vector<16xi1>
        %parallel_loop3A_91 = arith.index_cast %parallel_loop3A_75 : i32 to index
        %parallel_loop3A_92 = tpu.vector_load %arg11[%parallel_loop3A_91] {strides = array<i32>} : memref<6272xi32, #tpu.memory_space<vmem>>, vector<16xi32>,
        %parallel_loop3A_93 = arith.constant 24 : i32
        %parallel_loop3A_94 = vector.broadcast %parallel_loop3A_93 : i32 to vector<16xi32>
        %parallel_loop3A_95 = arith.minsi %parallel_loop3A_79, %parallel_loop3A_94 : vector<16xi32>
        %parallel_loop3A_96 = arith.constant 25 : i32
        %parallel_loop3A_97 = vector.broadcast %parallel_loop3A_96 : i32 to vector<16xi32>
        %parallel_loop3A_98 = arith.muli %parallel_loop3A_95, %parallel_loop3A_97 : vector<16xi32>
        %parallel_loop3A_99 = arith.addi %parallel_loop3A_92, %parallel_loop3A_98 : vector<16xi32>
        %parallel_loop3A_100 = arith.constant 0 : i32
        %parallel_loop3A_101 = vector.broadcast %parallel_loop3A_100 : i32 to vector<16xi32>
        %parallel_loop3A_102 = arith.maxsi %parallel_loop3A_83, %parallel_loop3A_101 : vector<16xi32>
        %parallel_loop3A_103 = arith.addi %parallel_loop3A_99, %parallel_loop3A_102 : vector<16xi32>
        %parallel_loop3A_104 = tpu.vector_load_idx %arg9[%parallel_loop3A_103] : memref<80000xf32, #tpu.memory_space<vmem>>[vector<16xi32>], vector<16xf32>,
        %parallel_loop3A_105 = arith.constant 0.000000e+00 : f32
        %parallel_loop3A_106 = vector.broadcast %parallel_loop3A_105 : f32 to vector<16xf32>
        %parallel_loop3A_107 = arith.select %parallel_loop3A_90, %parallel_loop3A_104, %parallel_loop3A_106 : vector<16xi1>, vector<16xf32>
        %parallel_loop3A_108 = arith.index_cast %parallel_loop3A_75 : i32 to index
        %parallel_loop3A_109 = tpu.vector_load %arg14[%parallel_loop3A_108] {strides = array<i32>} : memref<6272xf32, #tpu.memory_space<vmem>>, vector<16xf32>,
        %parallel_loop3A_110 = arith.mulf %parallel_loop3A_107, %parallel_loop3A_109 : vector<16xf32>
        %parallel_loop3A_111 = arith.index_cast %parallel_loop3A_75 : i32 to index
        %parallel_loop3A_112 = tpu.vector_load %arg10[%parallel_loop3A_111] {strides = array<i32>} : memref<6272xf32, #tpu.memory_space<vmem>>, vector<16xf32>,
        tpu.vector_store %arg10[%parallel_loop3A_111], %parallel_loop3A_110 {strides = array<i32>} : memref<6272xf32, #tpu.memory_space<vmem>>, vector<16xf32>,
      } {sc.loop_unroll_factor = 8 : i64, sc.parallel_access}
      %mul3A_68 = arith.constant 12544 : i32
      %mul3A_69 = arith.muli %add3A_41, %mul3A_68 : i32
      %mul3A_70 = arith.constant 6272 : i32
      %mul3A_71 = arith.muli %select_n3A_38, %mul3A_70 : i32
      %add3A_72 = arith.addi %mul3A_69, %mul3A_71 : i32
      "tpu.region"() ({
        %run_scoped3A = tpu.sem_alloc : memref<!tpu.dma_semaphore, #tpu.memory_space<semaphore_mem>>
        %dma_start3A = tpu.memref_slice %arg8[%add3A_72] : memref<3211264xf32, #tpu.memory_space<hbm>> -> memref<6272xf32, #tpu.memory_space<hbm>>
        %dma_start3A_73 = tpu.memref_slice %arg8[%add3A_72] : memref<3211264xf32, #tpu.memory_space<hbm>> -> memref<6272xf32, #tpu.memory_space<hbm>>
        tpu.enqueue_dma source(%arg10 : memref<6272xf32, #tpu.memory_space<vmem>>) target(%dma_start3A_73 : memref<6272xf32, #tpu.memory_space<hbm>>) target_semaphore(%run_scoped3A : memref<!tpu.dma_semaphore, #tpu.memory_space<semaphore_mem>>)
        %dma_wait3A = tpu.memref_slice %arg8[%add3A_72] : memref<3211264xf32, #tpu.memory_space<hbm>> -> memref<6272xf32, #tpu.memory_space<hbm>>
        %dma_wait3A_74 = tpu.memref_slice %arg8[%add3A_72] : memref<3211264xf32, #tpu.memory_space<hbm>> -> memref<6272xf32, #tpu.memory_space<hbm>>
        tpu.wait_dma2 semaphore(%run_scoped3A : memref<!tpu.dma_semaphore, #tpu.memory_space<semaphore_mem>>) src(%arg10 : memref<6272xf32, #tpu.memory_space<vmem>>) dst(%dma_wait3A_74 : memref<6272xf32, #tpu.memory_space<hbm>>)
        tpu.yield
      }) : () -> ()
    }
    %scan3A_7 = arith.constant 16 : i32
    return
  }
}

</mosaic_0001>

<sc_bundles>
// kernel: kernel.3.cloned.1.call-start
scs
__scs_entry_jumppad:
0x0: {  	(pc) =	sbr.rel $0x88, $3  }
0x1: {  	(tag) =	ssettag $0x0;
	lr =	simm.s32 $0x1  }
0x2: {  	[smem:$0x3F9D] =	sst lr;
	_ =	strace $0xD0000000  }
0x3: {  	_ = 	snop  }
0x4: {  	_ = 	snop  }
0x5: {  	_ = 	snop  }
0x6: {  	_ = 	snop  }
0x7: {  	_ = 	snop  }
__scs_overlays_trampoline_lowered:
0x8: {  	[smem:$0x3FAC] =	sst s0  }
0x9: {  	[smem:$0x3FAD] =	sst s1  }
0xa: {  	[smem:$0x3FAE] =	sst s2  }
0xb: {  	[smem:$0x3FAF] =	sst s3  }
0xc: {  	[smem:$0x3FB0] =	sst s4  }
0xd: {  	[smem:$0x3FB1] =	sst s5  }
0xe: {  	[smem:$0x3FB2] =	sst s6  }
0xf: {  	[smem:$0x3FB3] =	sst s7  }
0x10: {  	[smem:$0x3FB4] =	sst s8  }
0x11: {  	[smem:$0x3FB5] =	sst s9;
	s0 =	simm.s32 @!p0 $0x0  }
0x12: {  	s1 =	sld [smem:$0x3F9B];
	s0 =	simm.s32 @p0 $0x1  }
0x13: {  	[smem:$0x3FB6] =	sst s0;
	s0 =	simm.s32 @!p1 $0x0  }
0x14: {  	s2 =	sld [smem:$0x3F9A];
	s0 =	simm.s32 @p1 $0x1  }
0x15: {  	[smem:$0x3FB7] =	sst s0;
	s0 =	simm.s32 @!p2 $0x0  }
0x16: {  	s3 =	sld [smem:$0x3FDB];
	s0 =	simm.s32 @p2 $0x1  }
0x17: {  	s4 =	simm.s32 $0x1BF5;
	[smem:$0x3FB9] =	sst s0  }
0x18: {  	s0 =	sld [smem:$0x3F9C];
	_ =	swait.ge [sflag:s4], $0x0  }
0x19: {  	s7 =	sld [smem:$0x3F9D]  }
0x1a: {  	s8 =	sadd.s32 $0xFFFFE003, lr  }
0x1b: {  	s9 =	sadd.s32 $0xFFFFFEF7, lr;
	s5 =	simm.s32 $0xFFFFFFFF;
	p2 =	slt.u32 s8, $0xFFFFF086  }
0x1c: {  	p1 =	slt.u32 s9, $0xF7A;
	s5 =	simm.s32 @!p2 $0x0  }
0x1d: {  	s5 =	simm.s32 @p1 $0x1;
	p0 =	seq.s32 s7, s2  }
0x1e: {  	s7 =	smul.u32 @!p0 $0xF7A, s2;
	p2 =	seq.s32 @!p0 s5, $0x0  }
0x1f: {  	s9 =	smul.u32 $0xF7A, s1;
	s8 =	simm.s32 @!p0 $0x1BF5;
	p2 =	por !p2, p0  }
0x20: {  	[sflag:s8] =	ssyncset.s32 @!p0 $0xFFFFF086;
	s6 =	sadd.s32 @!p0 s3, s7;
	s7 =	simm.s32 @!p0 $0x108  }
0x21: {  	s3 =	sadd.s32 s3, s9;
	s6 =	sadd.s32 @!p0 $0x88, s6;
	s7 =	simm.s32 @p2 $0x1082  }
0x22: {  	[simem:s7], [sflag:s8] =	dma.local @!p0 [hbm:s6], $0xF7A  }
0x23: {  	s9 =	sor.u32 $0xD0000000, s2;
	s6 =	simm.s32 $0x108;
	_ =	swait.ge @!p0 [sflag:s8], $0x0  }
0x24: {  	s3 =	sadd.s32 $0x88, s3;
	s6 =	simm.s32 @!p1 $0x1082;
	[sflag:s4] =	ssyncset.s32 $0xFFFFF086  }
0x25: {  	[simem:s6], [sflag:s4] =	dma.local [hbm:s3], $0xF7A  }
0x26: {  	[smem:$0x3F9D] =	sst s1;
	(tag) =	ssettag s2;
	_ =	strace s9  }
0x27: {  	s1 =	sld [smem:$0x3FAD]  }
0x28: {  	s2 =	sld [smem:$0x3FAE]  }
0x29: {  	s4 =	sld [smem:$0x3FB0]  }
0x2a: {  	p0 =	seq.s32 s5, $0x0;
	s5 =	sld [smem:$0x3FB1]  }
0x2b: {  	s6 =	sld [smem:$0x3FB2]  }
0x2c: {  	s7 =	sld [smem:$0x3FB3]  }
0x2d: {  	s3 =	simm.s32 $0x108;
	s8 =	sld [smem:$0x3FB4]  }
0x2e: {  	s3 =	simm.s32 @!p0 $0x1082;
	s9 =	sld [smem:$0x3FB5]  }
0x2f: {  	lr =	sadd.s32 s0, s3;
	s0 =	sld [smem:$0x3FAC]  }
0x30: {  	s3 =	sld [smem:$0x3FAF]  }
0x31: {  	[smem:$0x3FB8] =	sst s10  }
0x32: {  	s10 =	sld [smem:$0x3FB6];
	_ =	sdelay $0x3  }
0x33: {  	p0 =	seq.s32 s10, $0x1;
	s10 =	sld [smem:$0x3FB8];
	_ =	sdelay $0x3  }
0x34: {  	[smem:$0x3FB8] =	sst s10  }
0x35: {  	s10 =	sld [smem:$0x3FB7];
	_ =	sdelay $0x3  }
0x36: {  	p1 =	seq.s32 s10, $0x1;
	s10 =	sld [smem:$0x3FB8];
	_ =	sdelay $0x3  }
0x37: {  	[smem:$0x3FB8] =	sst s10  }
0x38: {  	s10 =	sld [smem:$0x3FB9]  }
0x39: {  	_ = 	snop;
	(pc) =	sbr.ind lr, $3  }
0x3a: {  	_ = 	snop  }
0x3b: {  	_ = 	snop  }
0x3c: {  	p2 =	seq.s32 s10, $0x1;
	s10 =	sld [smem:$0x3FB8]  }
0x3d: {  	_ =	shalt  }
0x3e: {  	_ =	shalt  }
0x3f: {  	_ =	shalt  }
0x40: {  	_ =	shalt  }
0x41: {  	_ =	shalt  }
0x42: {  	_ =	shalt  }
0x43: {  	_ =	shalt  }
0x44: {  	_ =	shalt  }
0x45: {  	_ =	shalt  }
0x46: {  	_ =	shalt  }
0x47: {  	_ =	shalt  }
0x48: {  	_ =	shalt  }
0x49: {  	_ =	shalt  }
0x4a: {  	_ =	shalt  }
0x4b: {  	_ =	shalt  }
0x4c: {  	_ =	shalt  }
0x4d: {  	_ =	shalt  }
0x4e: {  	_ =	shalt  }
0x4f: {  	_ =	shalt  }
0x50: {  	_ =	shalt  }
0x51: {  	_ =	shalt  }
0x52: {  	_ =	shalt  }
0x53: {  	_ =	shalt  }
0x54: {  	_ =	shalt  }
0x55: {  	_ =	shalt  }
0x56: {  	_ =	shalt  }
0x57: {  	_ =	shalt  }
0x58: {  	_ =	shalt  }
0x59: {  	_ =	shalt  }
0x5a: {  	_ =	shalt  }
0x5b: {  	_ =	shalt  }
0x5c: {  	_ =	shalt  }
0x5d: {  	_ =	shalt  }
0x5e: {  	_ =	shalt  }
0x5f: {  	_ =	shalt  }
0x60: {  	_ =	shalt  }
0x61: {  	_ =	shalt  }
0x62: {  	_ =	shalt  }
0x63: {  	_ =	shalt  }
0x64: {  	_ =	shalt  }
0x65: {  	_ =	shalt  }
0x66: {  	_ =	shalt  }
0x67: {  	_ =	shalt  }
0x68: {  	_ =	shalt  }
0x69: {  	_ =	shalt  }
0x6a: {  	_ =	shalt  }
0x6b: {  	_ =	shalt  }
0x6c: {  	_ =	shalt  }
0x6d: {  	_ =	shalt  }
0x6e: {  	_ =	shalt  }
0x6f: {  	_ =	shalt  }
0x70: {  	_ =	shalt  }
0x71: {  	_ =	shalt  }
0x72: {  	_ =	shalt  }
0x73: {  	_ =	shalt  }
0x74: {  	_ =	shalt  }
0x75: {  	_ =	shalt  }
0x76: {  	_ =	shalt  }
0x77: {  	_ =	shalt  }
0x78: {  	_ =	shalt  }
0x79: {  	_ =	shalt  }
0x7a: {  	_ =	shalt  }
0x7b: {  	_ =	shalt  }
0x7c: {  	_ =	shalt  }
0x7d: {  	_ =	shalt  }
0x7e: {  	_ =	shalt  }
0x7f: {  	_ =	shalt  }
0x80: {  	_ =	shalt  }
0x81: {  	_ =	shalt  }
0x82: {  	_ =	shalt  }
0x83: {  	_ =	shalt  }
0x84: {  	_ =	shalt  }
0x85: {  	_ =	shalt  }
0x86: {  	_ =	shalt  }
0x87: {  	_ =	shalt  }
.Lfunc_end0:
.L_simem_size_0:
called_computation_lowered:
.L_overlay_start_0:
0x88: {  	s2 =	sld [smem:$0x3FD9]  }
0x89: {  	s3 =	sld [smem:$0x3FFE];
	_ =	sdelay $0x1  }
0x8a: {  	s1 =	srdreg.scid  }
0x8b: {  	s0 =	sand.u32 $0x1, s1  }
0x8c: {  	s14 =	sshll.u32 s0, $0xA;
	s2 =	sadd.s32 s3, s2  }
0x8d: {  	s2 =	sadd.s32 s2, s14  }
0x8e: {  	[smem:$0x3FC4] =	sst s2  }
0x8f: {  	_ = 	snop  }
0x90: {  	s2 =	sld [smem:$0x3FD0];
	_ =	sdelay $0x2  }
0x91: {  	s15 =	simm.s32 $0xA;
	s4 =	simm.s32 $0x10  }
0x92: {  	[smem:s4], [sflag:s15] =	dma.local [hbm:s2], $0x1  }
0x93: {  	_ =	swait.eq [sflag:s15], $0x1  }
0x94: {  	[sflag:s15] =	ssyncset.done $0x0  }
0x95: {  	s16 =	sld [smem:$0x10];
	[sflag:s15] =	ssyncadd.s32 $0xFFFFFFFF  }
0x96: {  	s17 =	sld [smem:$0x11];
	(tm) =	ssettm $0x1  }
0x97: {  	s18 =	sld [smem:$0x3FFB];
	_ =	sdelay $0x3  }
0x98: {  	_ =	strace s18  }
0x99: {  	s4 =	sld [smem:$0x3FFC];
	_ =	sdelay $0x3  }
0x9a: {  	_ =	strace s4  }
0x9b: {  	s4 =	sld [smem:$0x3FFD];
	_ =	sdelay $0x3  }
0x9c: {  	_ =	strace s4  }
0x9d: {  	_ =	strace $0x8FFFFFFF  }
0x9e: {  	s19 =	sld [smem:$0x3FDB];
	_ =	sdelay $0x1  }
0x9f: {  	s5 =	simm.s32 $_scs_section_size  }
0xa0: {  	s6 =	simm.s32 $_size__tile_overlayer_lowered;
	s7 =	simm.s32 $_tile_overlayer_lowered  }
0xa1: {  	s22 =	simm.s32 $0x1BFF;
	s21 =	sshll.u32 s7, $0x1;
	s4 =	sadd.s32 s5, s19  }
0xa2: {  	s8 =	simm.s32 $0x0;
	s20 =	sshll.u32 s6, $0x1;
	s6 =	sadd.s32 s21, s4  }
0xa3: {  	[timem:s8], [sflag:s22] =	dma.local [hbm:s6], s20  }
0xa4: {  	_ =	swait.ge [sflag:s22], s20  }
0xa5: {  	s5 =	ssub.s32 $0x0, s20;
	[sflag:s22] =	ssyncset.done $0x0  }
0xa6: {  	[sflag:s22] =	ssyncadd.s32 s5;
	_ =	sdelay $0x1  }
0xa7: {  	s23 =	simm.s32 $0x1B8B  }
0xa8: {  	_ =	swait.ge [sflag:s23], $0x1  }
0xa9: {  	[sflag:s23] =	ssyncset.done $0x0  }
0xaa: {  	s25 =	simm.s32 $0x1B8E;
	s24 =	sld [smem:$0x3FFE];
	[sflag:s23] =	ssyncadd.s32 $0xFFFFFFFF  }
0xab: {  	s26 =	simm.s32 $execute0_lowered;
	[smem:$0x3FD2] =	sst s25  }
0xac: {  	s6 =	sshll.u32 s26, $0x1;
	_ =	strace $0x80000046;
	[dreg:$0x1] =	wrdreg $0xFFFFFFFF  }
0xad: {  	s28 =	simm.s32 $_size_execute0_lowered;
	s4 =	sadd.s32 s4, s6;
	[dreg:$0x0] =	wrdreg $0x0  }
0xae: {  	s6 =	sshll.u32 s28, $0x1;
	[dreg:$0x2] =	wrdreg s4  }
0xaf: {  	[dreg:$0x3] =	wrdreg s6  }
0xb0: {  	[dreg:$0x4] =	wrdreg $0xC0  }
0xb1: {  	_ =	task [dreg:s8], $0x5FFFF  }
0xb2: {  	[dreg:$0x1] =	wrdreg $0xFFFFFFFF  }
0xb3: {  	[dreg:$0x0] =	wrdreg $0x60  }
0xb4: {  	[dreg:$0x2] =	wrdreg s24  }
0xb5: {  	[dreg:$0x3] =	wrdreg s17  }
0xb6: {  	[dreg:$0x4] =	wrdreg s16  }
0xb7: {  	[dreg:$0x5] =	wrdreg $0x9  }
0xb8: {  	_ =	task.clear_ibuf [dreg:s8], $0x6FFFF;
	_ =	strace $0x90000046  }
0xb9: {  	s29 =	simm.s32 $0x9;
	_ =	strace $0x80000048  }
0xba: {  	_ =	swait.ge [sflag:s29], $0x1  }
0xbb: {  	[sflag:s29] =	ssyncadd.s32 $0xFFFFFFFF  }
0xbc: {  	_ =	strace $0x90000048  }
0xbd: {  	_ =	sfence  }
0xbe: {  	s30 =	sld [smem:$0x0];
	_ =	sdelay $0x2  }
0xbf: {  	s31 =	sshll.u32 s1, $0xD;
	s1 =	sshrl.u32 s1, $0x2  }
0xc0: {  	s3 =	sand.u32 $0x4000, s31;
	s1 =	sadd.s32 s1, s30  }
0xc1: {  	s0 =	sor.u32 s3, s0;
	s1 =	sshll.u32 s1, $0x11  }
0xc2: {  	s0 =	sor.u32 s1, s0  }
0xc3: {  	s0 =	sadd.s32 $0x8F2B, s0  }
0xc4: {  	[sflag:s0] =	ssyncadd.remote.s32 $0x1  }
0xc5: {  	_ =	sfence.sel $0xFFFF  }
0xc6: {  	[dreg:$0x0] =	wrdreg $0xFFFFFFFF;
	(pc) =	sbr.abs _section_cstart, $3  }
0xc7: {  	[dreg:$0x1] =	wrdreg $0xFFFFFFFF  }
0xc8: {  	_ =	task.clear_ibuf [dreg:s8], $0x2FFFF;
	_ =	strace $0x9FFFFFFF  }
0xc9: {  	(tm) =	ssettm $0x7FFFFFFF  }
tec
execute0_lowered:
.L_overlay_start_1:
0x0: {  	(tag) =	ssettag $0x1  }
0x1: {  	s8 =	rddreg [dreg:$0x0]  }
0x2: {  	s9 =	rddreg [dreg:$0x1]  }
0x3: {  	s1 =	rddreg [dreg:$0x2]  }
0x4: {  	s0 =	rddreg [dreg:$0x3];
	s2 =	simm.s32 $0x0  }
0x5: {  	s7 =	srdreg.scid;
	s3 =	stileid.u32;
	s14 =	simm.s32 $0x16980  }
0x6: {  	s15 =	simm.s32 $0x18200;
	s16 =	simm.s32 $0x19A80;
	s17 =	simm.s32 $0x1B300  }
0x7: {  	s18 =	simm.s32 $0x13880;
	s19 =	simm.s32 $0x0;
	[smem:$0x7FF] =	sst s2  }
0x8: {  	s4 =	sadd.s32 $0x2000A00, s8;
	s5 =	sadd.s32 $0xE00, s8;
	s6 =	sadd.s32 $0x1200, s8  }
0x9: {  	s10 =	sand.u32 $0x1, s7;
	s11 =	sshll.u32 s3, $0x1;
	s7 =	sadd.s32 $0x1600, s8  }
0xa: {  	s8 =	sadd.s32 $0xA00, s8;
	s12 =	ssub.s32 $0x2, s10;
	s10 =	sor.u32 s10, s11  }
0xb: {  	_ =	strace $0x80000047;
	s31 =	sshrl.u32 s12, $0x1;
	s13 =	sshll.u32 s10, $0x1  }
0xc: {  	s10 =	sshll.u32 s10, $0x3;
	s11 =	ssub.s32 s12, s31;
	s9 =	sadd.s32 s9, s13  }
0xd: {  	v0 =	vlaneseq.u32;
	s12 =	simm.s32 $0x15100;
	s13 =	simm.s32 $0x1;
	s11 =	smax.u32 s11, $0x1  }
.LBB2_1:
0xe: {  	[tilespmem:s12], [sflag:$0x1] =	stream.linear.gather [hbm4b:s5+s2], $0x1880, $0x38;
	[tilespmem:$0x1B310] =	vst v63  }
0xf: {  	_ =	swait.ge [sflag:s13], $0x1880  }
0x10: {  	[sflag:s13] =	ssyncset.done $0x0  }
0x11: {  	[sflag:s13] =	ssyncadd.s32 $0xFFFFE780  }
0x12: {  	[tilespmem:s14], [sflag:$0x1] =	stream.linear.gather [hbm4b:s6+s2], $0x1880, $0x38;
	[tilespmem:$0x1B310] =	vst v63  }
0x13: {  	_ =	swait.ge [sflag:s13], $0x1880  }
0x14: {  	[sflag:s13] =	ssyncset.done $0x0  }
0x15: {  	[sflag:s13] =	ssyncadd.s32 $0xFFFFE780  }
0x16: {  	[tilespmem:s15], [sflag:$0x1] =	stream.linear.gather [hbm4b:s7+s2], $0x1880, $0x38;
	[tilespmem:$0x1B310] =	vst v63  }
0x17: {  	_ =	swait.ge [sflag:s13], $0x1880  }
0x18: {  	[sflag:s13] =	ssyncset.done $0x0  }
0x19: {  	[sflag:s13] =	ssyncadd.s32 $0xFFFFE780  }
0x1a: {  	[tilespmem:s16], [sflag:$0x1] =	stream.linear.gather [hbm4b:s8+s2], $0x1880, $0x38;
	[tilespmem:$0x1B310] =	vst v63  }
0x1b: {  	_ =	swait.ge [sflag:s13], $0x1880  }
0x1c: {  	[sflag:s13] =	ssyncset.done $0x0  }
0x1d: {  	[sflag:s13] =	ssyncadd.s32 $0xFFFFE780  }
0x1e: {  	[tilespmem:s17], [sflag:$0x1] =	stream.linear.gather [hbm4b:s9+s2], $0x10, $0x38;
	[tilespmem:$0x1B310] =	vst v63  }
0x1f: {  	_ =	swait.ge [sflag:s13], $0x10  }
0x20: {  	[sflag:s13] =	ssyncset.done $0x0  }
0x21: {  	s20 =	simm.s32 $0x0;
	[sflag:s13] =	ssyncadd.s32 $0xFFFFFFF0  }
.LBB2_2:
0x22: {  	v1 =	vld [tilespmem:$0x1B300];
	_ =	sdelay $0x1  }
0x23: {  	s21 =	sshrl.u32 s20, $0x1  }
0x24: {  	v2 =	vmov s21;
	s22 =	sor.u32 $0x8, s21  }
0x25: {  	vm0 =	veq.s32 v2, v0;
	v2 =	vmov s22  }
0x26: {  	v3 =	vnsel vm0, $0x0, v1;
	vm0 =	veq.s32 v2, v0  }
0x27: {  	s22 =	sadd.s32 s10, s21;
	(xrf0) =	vadd.scan.msk.s32 $0xffff, v3;
	v1 =	vnsel vm0, $0x0, v1  }
0x28: {  	s21 =	sand.u32 $0x1, s20;
	s23 =	smul.u32 $0x27100, s22;
	(xrf0) =	vadd.scan.msk.s32 $0xffff, v1  }
0x29: {  	s24 =	smul.u32 $0x13880, s21;
	_ =	sdelay $0x1  }
0x2a: {  	s23 =	sadd.s32 s24, s23  }
0x2b: {  	s23 =	sshrl.u32 s23, $0x3  }
0x2c: {  	s23 =	sadd.s32 s4, s23;
	v1, _, _ =	vpop (xrf0)  }
0x2d: {  	[tilespmem:s2], [sflag:$0x1] =	stream.linear.gather [hbm4b:s23+s2], $0x13880, $0x38;
	v2, _, _ =	vpop (xrf0);
	[tilespmem:$0x1B310] =	vst v63  }
0x2e: {  	_ =	swait.ge [sflag:s13], $0x13880  }
0x2f: {  	[sflag:s13] =	ssyncset.done $0x0  }
0x30: {  	s25 =	simm.s32 $0x169C0;
	[sflag:s13] =	ssyncadd.s32 $0xFFFEC780  }
0x31: {  	v3 =	vld [tilespmem:s25+$0x30]  }
0x32: {  	v4 =	vld [tilespmem:s25+$0xFFFFFFD0]  }
0x33: {  	s23 =	simm.s32 $0x18240;
	v5 =	vld [tilespmem:s25+$0xFFFFFFE0]  }
0x34: {  	v6 =	vld [tilespmem:s23+$0x30]  }
0x35: {  	v7 =	vld [tilespmem:s25+$0xFFFFFFF0]  }
0x36: {  	v9 =	vld [tilespmem:s25+$0x0]  }
0x37: {  	v10 =	vld [tilespmem:s25+$0x10]  }
0x38: {  	v12 =	vld [tilespmem:s25+$0x20]  }
0x39: {  	v14 =	vld [tilespmem:s23+$0xFFFFFFC0]  }
0x3a: {  	v21 =	vld [tilespmem:s23+$0x0]  }
0x3b: {  	v23 =	vld [tilespmem:s23+$0x10]  }
0x3c: {  	v1 =	vbroadcast v1, $0xF;
	v2 =	vbroadcast v2, $0xF;
	v26 =	vld [tilespmem:s23+$0x20];
	_ =	sdelay $0x1  }
0x3d: {  	v3 =	vadd.s32 v1, v3;
	v4 =	vadd.s32 v1, v4;
	v6 =	vadd.s32 v2, v6  }
0x3e: {  	v13 =	vadd.s32 v1, v5;
	v16 =	vadd.s32 v1, v7;
	v17 =	vadd.s32 v1, v9  }
0x3f: {  	s24 =	simm.s32 $0x15140;
	v19 =	vadd.s32 v1, v10;
	v12 =	vadd.s32 v1, v12;
	v14 =	vadd.s32 v2, v14  }
0x40: {  	v8 =	vld [tilespmem:s24+$0x30];
	v21 =	vadd.s32 v2, v21;
	v23 =	vadd.s32 v2, v23;
	v26 =	vadd.s32 v2, v26  }
0x41: {  	v5 =	vld [tilespmem:s25+$0xFFFFFFC0];
	vm0 =	vlt.s32 v3, $0x18;
	vm1 =	vgt.s32 v6, $0x0;
	vm2 =	vlt.s32 v13, $0x18  }
0x42: {  	v7 =	vld [tilespmem:s23+$0xFFFFFFD0];
	vm4 =	vgt.s32 v21, $0x0;
	vm5 =	vgt.s32 v23, $0x0;
	vm6 =	vgt.s32 v26, $0x0  }
0x43: {  	v9 =	vld [tilespmem:s23+$0xFFFFFFE0];
	vm7 =	vlt.s32 v16, $0x19;
	v11 =	vnsel vm0, $0x18, v3;
	vm0 =	vlt.s32 v4, $0x18  }
0x44: {  	v10 =	vld [tilespmem:s23+$0xFFFFFFF0];
	v11 =	vmul.u32 $0x19, v11;
	v15 =	vnsel vm0, $0x18, v4;
	vm0 =	vlt.s32 v16, $0x18  }
0x45: {  	v18 =	vnsel vm0, $0x18, v16;
	vm0 =	vlt.s32 v17, $0x18;
	v15 =	vmul.u32 $0x19, v15  }
0x46: {  	v8 =	vadd.s32 v8, v11;
	v11 =	vnsel vm1, $0x0, v6;
	v20 =	vnsel vm0, $0x18, v17  }
0x47: {  	v61 =	vld [tilespmem:s24+$0xFFFFFFC0];
	vm0 =	vlt.s32 v19, $0x18;
	v22 =	vadd.s32 v1, v5;
	v8 =	vadd.s32 v11, v8  }
0x48: {  	v62 =	vld [tilespmem:s24+$0x20];
	v18 =	vmul.u32 $0x19, v18;
	v28 =	vadd.s32 v2, v7;
	v29 =	vadd.s32 v2, v9  }
0x49: {  	v30 =	vadd.s32 v2, v10;
	v9 =	vld [tilespmem:s24+$0xFFFFFFD0];
	v11 =	vnsel vm2, $0x18, v13;
	v5 =	vnsel vm0, $0x18, v19  }
0x4a: {  	v10 =	vld [tilespmem:s24+$0x0];
	vm0 =	vlt.s32 v12, $0x18;
	vm1 =	vlt.s32 v22, $0x18;
	v20 =	vmul.u32 $0x19, v20  }
0x4b: {  	v24 =	vnsel vm0, $0x18, v12;
	v25 =	vnsel vm1, $0x18, v22;
	vm0 =	vlt.s32 v3, $0x19;
	v3 =	vld [tilespmem:s24+$0xFFFFFFE0]  }
0x4c: {  	s25 =	simm.s32 $0x19AC0;
	vm2 =	vgt.s32 v14, $0x0;
	vm3 =	vgt.s32 v28, $0x0;
	v25 =	vmul.u32 $0x19, v25;
	v8 =	vld.idx.msk [tilespmem:v8+s2+$0x0], $0xffff  }
0x4d: {  	v11 =	vmul.u32 $0x19, v11;
	v27 =	vmul.u32 $0x19, v5;
	v5 =	vld [tilespmem:s25+$0x30];
	vm1 =	vgt.s32 v6, $0xFFFFFFFF  }
0x4e: {  	v6 =	vld [tilespmem:s24+$0xFFFFFFF0];
	v7 =	vmul.u32 $0x19, v24;
	vm0 =	vmand vm0, vm1;
	v24 =	vadd.s32 v61, v25  }
0x4f: {  	v15 =	vadd.s32 v9, v15;
	v9 =	vnsel vm2, $0x0, v14;
	v20 =	vadd.s32 v10, v20;
	v10 =	vld [tilespmem:s25+$0xFFFFFFF0]  }
0x50: {  	vm1 =	vgt.s32 v29, $0x0;
	v25 =	vadd.s32 v62, v7;
	v7 =	vld [tilespmem:s25+$0x10];
	v24 =	vadd.s32 v9, v24  }
0x51: {  	v9 =	vld [tilespmem:s25+$0xFFFFFFE0];
	v3 =	vadd.s32 v3, v11;
	v11 =	vnsel vm3, $0x0, v28;
	v8 =	vnsel vm0, $0x0, v8  }
0x52: {  	v32 =	vnsel vm1, $0x0, v29;
	v15 =	vadd.s32 v11, v15;
	v31 =	vmul.f32 v8, v5;
	v8 =	vld [tilespmem:s24+$0x10]  }
0x53: {  	v34 =	vnsel vm4, $0x0, v21;
	v18 =	vadd.s32 v6, v18;
	v6 =	vld [tilespmem:s25+$0xFFFFFFD0];
	v32 =	vadd.s32 v32, v3  }
0x54: {  	v20 =	vadd.s32 v34, v20;
	v3 =	vnsel vm6, $0x0, v26;
	v11 =	vld [tilespmem:s25+$0x0];
	vm0 =	vgt.s32 v30, $0x0  }
0x55: {  	vm9 =	vlt.s32 v17, $0x19;
	v25 =	vadd.s32 v3, v25;
	v24 =	vld.idx.msk [tilespmem:v24+s2+$0x0], $0xffff;
	v33 =	vnsel vm0, $0x0, v30  }
0x56: {  	vm10 =	vgt.s32 v21, $0xFFFFFFFF;
	vm11 =	vlt.s32 v19, $0x19;
	v5 =	vld [tilespmem:s25+$0xFFFFFFC0];
	v18 =	vadd.s32 v33, v18  }
0x57: {  	vm12 =	vgt.s32 v23, $0xFFFFFFFF;
	v35 =	vnsel vm5, $0x0, v23;
	v3 =	vld.idx.msk [tilespmem:v15+s2+$0x0], $0xffff;
	v8 =	vadd.s32 v8, v27  }
0x58: {  	vm13 =	vlt.s32 v12, $0x19;
	vm2 =	vlt.s32 v4, $0x19;
	v4 =	vld.idx.msk [tilespmem:v32+s2+$0x0], $0xffff;
	v63 =	vadd.s32 v35, v8  }
0x59: {  	vm5 =	vlt.s32 v13, $0x19;
	vm8 =	vgt.s32 v30, $0xFFFFFFFF;
	vm3 =	vgt.s32 v28, $0xFFFFFFFF;
	v15 =	vld.idx.msk [tilespmem:v20+s2+$0x0], $0xffff  }
0x5a: {  	vm1 =	vgt.s32 v14, $0xFFFFFFFF;
	vm6 =	vgt.s32 v29, $0xFFFFFFFF;
	vm4 =	vmand vm2, vm3;
	v12 =	vld.idx.msk [tilespmem:v25+s2+$0x0], $0xffff  }
0x5b: {  	vm3 =	vmand vm7, vm8;
	vm2 =	vmand vm9, vm10;
	vm0 =	vlt.s32 v22, $0x19;
	v13 =	vld.idx.msk [tilespmem:v18+s2+$0x0], $0xffff  }
0x5c: {  	s26 =	simm.s32 $0x138C0;
	vm5 =	vmand vm5, vm6;
	vm14 =	vmand vm0, vm1;
	vm0 =	vgt.s32 v26, $0xFFFFFFFF;
	v8 =	vld [tilespmem:s25+$0x20]  }
0x5d: {  	s28 =	simm.s32 $0x0;
	s29 =	simm.s32 $0x16A40;
	vm1 =	vmand vm11, vm12;
	[tilespmem:s26+$0x30] =	vst v31;
	vm0 =	vmand vm13, vm0;
	v16 =	vnsel vm14, $0x0, v24;
	v14 =	vld.idx.msk [tilespmem:v63+s2+$0x0], $0xffff  }
.LBB2_3:
0x5e: {  	v17 =	vld [tilespmem:s29+$0x30];
	s28 =	sadd.s32 $0x8, s28;
	v5 =	vmul.f32 v16, v5;
	v3 =	vnsel vm4, $0x0, v3  }
0x5f: {  	v4 =	vnsel vm5, $0x0, v4;
	v16 =	vld [tilespmem:s29+$0xFFFFFFD0];
	p0 =	slt.u32 s28, $0x180;
	v3 =	vmul.f32 v3, v6  }
0x60: {  	s23 =	sadd.s32 $0x80, s23;
	v4 =	vmul.f32 v4, v9;
	v6 =	vld [tilespmem:s29+$0xFFFFFFE0];
	[tilespmem:s26+$0xFFFFFFC0] =	vst v5;
	v5 =	vnsel vm3, $0x0, v13  }
0x61: {  	v9 =	vld [tilespmem:s23+$0x30];
	[tilespmem:s26+$0xFFFFFFD0] =	vst v3;
	v3 =	vmul.f32 v5, v10;
	v5 =	vnsel vm2, $0x0, v15  }
0x62: {  	s24 =	sadd.s32 $0x80, s24;
	v10 =	vld [tilespmem:s29+$0xFFFFFFF0];
	[tilespmem:s26+$0xFFFFFFE0] =	vst v4;
	v4 =	vmul.f32 v5, v11;
	v5 =	vnsel vm1, $0x0, v14  }
0x63: {  	v11 =	vadd.s32 v1, v17;
	v13 =	vld [tilespmem:s24+$0x30];
	[tilespmem:s26+$0xFFFFFFF0] =	vst v3;
	v5 =	vmul.f32 v5, v7;
	v7 =	vnsel vm0, $0x0, v12  }
0x64: {  	v3 =	vadd.s32 v1, v16;
	v12 =	vld [tilespmem:s29+$0x0];
	vm0 =	vlt.s32 v11, $0x18;
	[tilespmem:s26+$0x0] =	vst v4;
	v7 =	vmul.f32 v7, v8  }
0x65: {  	vm1 =	vlt.s32 v3, $0x18;
	v4 =	vadd.s32 v1, v6;
	v6 =	vld [tilespmem:s29+$0x10];
	v8 =	vnsel vm0, $0x18, v11;
	[tilespmem:s26+$0x10] =	vst v5  }
0x66: {  	vm0 =	vlt.s32 v4, $0x18;
	v5 =	vld [tilespmem:s29+$0x20];
	v9 =	vadd.s32 v2, v9;
	v8 =	vmul.u32 $0x19, v8;
	[tilespmem:s26+$0x20] =	vst v7  }
0x67: {  	v14 =	vnsel vm1, $0x18, v3;
	v7 =	vld [tilespmem:s29+$0xFFFFFFC0];
	v15 =	vadd.s32 v1, v10;
	vm1 =	vgt.s32 v9, $0x0  }
0x68: {  	v10 =	vld [tilespmem:s23+$0xFFFFFFC0];
	vm2 =	vlt.s32 v15, $0x18;
	v8 =	vadd.s32 v13, v8;
	v13 =	vnsel vm1, $0x0, v9  }
0x69: {  	v17 =	vnsel vm0, $0x18, v4;
	v16 =	vld [tilespmem:s23+$0xFFFFFFD0];
	v12 =	vadd.s32 v1, v12;
	v8 =	vadd.s32 v13, v8  }
0x6a: {  	v18 =	vnsel vm2, $0x18, v15;
	v13 =	vld [tilespmem:s23+$0xFFFFFFE0];
	vm0 =	vlt.s32 v12, $0x18;
	v19 =	vadd.s32 v1, v6  }
0x6b: {  	v6 =	vld [tilespmem:s23+$0xFFFFFFF0];
	v20 =	vnsel vm0, $0x18, v12;
	vm0 =	vlt.s32 v19, $0x18;
	v21 =	vadd.s32 v1, v5  }
0x6c: {  	v7 =	vadd.s32 v1, v7;
	v5 =	vld [tilespmem:s23+$0x0];
	v22 =	vnsel vm0, $0x18, v19;
	vm0 =	vlt.s32 v21, $0x18  }
0x6d: {  	v14 =	vmul.u32 $0x19, v14;
	vm1 =	vlt.s32 v7, $0x18;
	v23 =	vld [tilespmem:s23+$0x10];
	v24 =	vnsel vm0, $0x18, v21  }
0x6e: {  	v17 =	vmul.u32 $0x19, v17;
	v18 =	vmul.u32 $0x19, v18;
	v25 =	vnsel vm1, $0x18, v7;
	v8 =	vld.idx.msk [tilespmem:v8+s2+$0x0], $0xffff  }
0x6f: {  	s25 =	sadd.s32 $0x80, s25;
	v20 =	vmul.u32 $0x19, v20;
	v22 =	vmul.u32 $0x19, v22;
	v25 =	vmul.u32 $0x19, v25;
	v26 =	vld [tilespmem:s23+$0x20]  }
0x70: {  	v27 =	vadd.s32 v2, v10;
	v16 =	vadd.s32 v2, v16;
	v24 =	vmul.u32 $0x19, v24;
	v10 =	vld [tilespmem:s25+$0x30]  }
0x71: {  	v13 =	vadd.s32 v2, v13;
	v29 =	vadd.s32 v2, v6;
	v28 =	vld [tilespmem:s24+$0xFFFFFFC0];
	v30 =	vadd.s32 v2, v5  }
0x72: {  	vm0 =	vlt.s32 v11, $0x19;
	vm1 =	vgt.s32 v9, $0xFFFFFFFF;
	v5 =	vld [tilespmem:s24+$0xFFFFFFD0];
	v23 =	vadd.s32 v2, v23  }
0x73: {  	vm2 =	vgt.s32 v27, $0x0;
	vm3 =	vgt.s32 v16, $0x0;
	vm0 =	vmand vm0, vm1;
	v6 =	vld [tilespmem:s24+$0xFFFFFFE0]  }
0x74: {  	vm1 =	vgt.s32 v13, $0x0;
	v8 =	vnsel vm0, $0x0, v8;
	v9 =	vld [tilespmem:s24+$0xFFFFFFF0];
	v26 =	vadd.s32 v2, v26  }
0x75: {  	vm4 =	vgt.s32 v30, $0x0;
	vm0 =	vgt.s32 v29, $0x0;
	v11 =	vld [tilespmem:s24+$0x0];
	v8 =	vmul.f32 v8, v10  }
0x76: {  	s26 =	sadd.s32 $0x80, s26;
	vm5 =	vgt.s32 v23, $0x0;
	vm6 =	vgt.s32 v26, $0x0;
	v10 =	vadd.s32 v28, v25;
	v25 =	vld [tilespmem:s24+$0x10]  }
0x77: {  	v31 =	vnsel vm3, $0x0, v16;
	v28 =	vnsel vm2, $0x0, v27;
	v14 =	vadd.s32 v5, v14;
	v32 =	vld [tilespmem:s24+$0x20];
	[tilespmem:s26+$0x30] =	vst v8  }
0x78: {  	v33 =	vnsel vm0, $0x0, v29;
	v5 =	vld [tilespmem:s25+$0xFFFFFFC0];
	v8 =	vadd.s32 v6, v17;
	v17 =	vnsel vm1, $0x0, v13  }
0x79: {  	v34 =	vnsel vm4, $0x0, v30;
	v35 =	vnsel vm5, $0x0, v23;
	v6 =	vld [tilespmem:s25+$0xFFFFFFD0];
	v18 =	vadd.s32 v9, v18  }
0x7a: {  	v28 =	vadd.s32 v28, v10;
	v9 =	vld [tilespmem:s25+$0xFFFFFFE0];
	v11 =	vadd.s32 v11, v20;
	v20 =	vnsel vm6, $0x0, v26  }
0x7b: {  	v14 =	vadd.s32 v31, v14;
	v17 =	vadd.s32 v17, v8;
	v10 =	vld [tilespmem:s25+$0xFFFFFFF0];
	v8 =	vadd.s32 v25, v22  }
0x7c: {  	v18 =	vadd.s32 v33, v18;
	v22 =	vadd.s32 v34, v11;
	v11 =	vld [tilespmem:s25+$0x0];
	v24 =	vadd.s32 v32, v24  }
0x7d: {  	vm0 =	vlt.s32 v7, $0x19;
	v25 =	vadd.s32 v35, v8;
	v7 =	vld [tilespmem:s25+$0x10];
	v20 =	vadd.s32 v20, v24  }
0x7e: {  	vm3 =	vgt.s32 v16, $0xFFFFFFFF;
	vm2 =	vlt.s32 v3, $0x19;
	vm1 =	vgt.s32 v27, $0xFFFFFFFF;
	v8 =	vld [tilespmem:s25+$0x20]  }
0x7f: {  	vm7 =	vlt.s32 v15, $0x19;
	vm5 =	vlt.s32 v4, $0x19;
	vm6 =	vgt.s32 v13, $0xFFFFFFFF;
	v16 =	vld.idx.msk [tilespmem:v28+s2+$0x0], $0xffff  }
0x80: {  	vm9 =	vlt.s32 v12, $0x19;
	vm8 =	vgt.s32 v29, $0xFFFFFFFF;
	vm10 =	vgt.s32 v30, $0xFFFFFFFF;
	v3 =	vld.idx.msk [tilespmem:v14+s2+$0x0], $0xffff  }
.Ltmp0:
0x81: {  	vm11 =	vlt.s32 v19, $0x19;
	vm13 =	vlt.s32 v21, $0x19;
	vm12 =	vgt.s32 v23, $0xFFFFFFFF;
	v4 =	vld.idx.msk [tilespmem:v17+s2+$0x0], $0xffff;
	(pc) =	sbr.rel @p0 .LBB2_3-.Ltmp0, $4  }
0x82: {  	vm4 =	vmand vm2, vm3;
	vm14 =	vmand vm0, vm1;
	vm0 =	vgt.s32 v26, $0xFFFFFFFF;
	v13 =	vld.idx.msk [tilespmem:v18+s2+$0x0], $0xffff  }
0x83: {  	vm3 =	vmand vm7, vm8;
	vm2 =	vmand vm9, vm10;
	vm5 =	vmand vm5, vm6;
	v15 =	vld.idx.msk [tilespmem:v22+s2+$0x0], $0xffff  }
0x84: {  	vm1 =	vmand vm11, vm12;
	vm0 =	vmand vm13, vm0;
	v14 =	vld.idx.msk [tilespmem:v25+s2+$0x0], $0xffff  }
0x85: {  	s29 =	sadd.s32 $0x80, s29;
	v16 =	vnsel vm14, $0x0, v16;
	v12 =	vld.idx.msk [tilespmem:v20+s2+$0x0], $0xffff  }
0x86: {  	v1 =	vmul.f32 v16, v5;
	v2 =	vnsel vm4, $0x0, v3  }
0x87: {  	v3 =	vnsel vm5, $0x0, v4;
	v2 =	vmul.f32 v2, v6  }
0x88: {  	[tilespmem:s26+$0xFFFFFFC0] =	vst v1;
	v1 =	vmul.f32 v3, v9;
	v3 =	vnsel vm3, $0x0, v13  }
0x89: {  	s22 =	smul.u32 $0x3100, s22;
	[tilespmem:s26+$0xFFFFFFD0] =	vst v2;
	v2 =	vmul.f32 v3, v10;
	v3 =	vnsel vm2, $0x0, v15  }
0x8a: {  	s21 =	smul.u32 $0x1880, s21;
	[tilespmem:s26+$0xFFFFFFE0] =	vst v1;
	v1 =	vmul.f32 v3, v11;
	v3 =	vnsel vm1, $0x0, v14  }
0x8b: {  	[tilespmem:s26+$0xFFFFFFF0] =	vst v2;
	v2 =	vmul.f32 v3, v7;
	v3 =	vnsel vm0, $0x0, v12  }
0x8c: {  	s20 =	sadd.s32 $0x1, s20;
	s21 =	sadd.s32 s21, s22;
	[tilespmem:s26+$0x0] =	vst v1;
	v1 =	vmul.f32 v3, v8  }
0x8d: {  	p0 =	sne.s32 s20, $0x10;
	s21 =	sshrl.u32 s21, $0x3;
	[tilespmem:s26+$0x10] =	vst v2  }
.Ltmp1:
0x8e: {  	s21 =	sadd.s32 s1, s21;
	[tilespmem:s26+$0x20] =	vst v1;
	(pc) =	sbr.rel @p0 .LBB2_2-.Ltmp1, $4  }
0x8f: {  	[hbm4b:s21+s2] =	stream.linear.scatter [tilespmem:s18], [sflag:$0x1], $0x1880, $0x38;
	[tilespmem:$0x1B310] =	vst v63  }
0x90: {  	_ =	swait.ge [sflag:s13], $0x1880  }
0x91: {  	[sflag:s13] =	ssyncset.done $0x0  }
0x92: {  	[sflag:s13] =	ssyncadd.s32 $0xFFFFE780  }
0x93: {  	s19 =	sadd.s32 $0x1, s19  }
0x94: {  	p0 =	sne.s32 s19, s11  }
.Ltmp2:
0x95: {  	_ = 	snop;
	(pc) =	sbr.rel @p0 .LBB2_1-.Ltmp2, $1  }
0x96: {  	_ =	sdelay $0x3  }
0x97: {  	_ =	sfence.sel $0x180000  }
0x98: {  	[bflag:$0x0] =	sbarrier.arrive $0xFFFF  }
0x99: {  	p0 =	sne.s32 s3, $0x0;
	_ =	strace $0x90000047  }
0x9a: {  	s0 =	sadd.s32 @!p0 $0x100000, s0;
	[bflag:$0x2] =	sbarrier.arrive $0xFFFF  }
0x9b: {  	[sflag:s0] =	ssyncadd.tile.s32 @!p0 $0x1;
	_ =	shalt  }
.Lfunc_end2:
_tile_overlayer_lowered:
.L_overlay_start_2:
0x9c: {  	(tag) =	ssettag $0x2  }
0x9d: {  	s0 =	rddreg [dreg:$0x0];
	s2 =	stileid.u32  }
0x9e: {  	s1 =	rddreg [dreg:$0x1];
	p0 =	sne.s32 s2, $0x0  }
0x9f: {  	s3 =	rddreg [dreg:$0x2];
	[bflag:$0x3] =	sbarrier.arrive $0xFFFF;
	s2 =	simm.s32 @!p0 $0x1C01  }
0xa0: {  	[timem:s3], [sflag:s2] =	dma.local @!p0 [hbm:s0], s1  }
0xa1: {  	s0 =	simm.s32 @!p0 $0x1  }
0xa2: {  	_ =	swait.ge @!p0 [sflag:s0], s1  }
0xa3: {  	s1 =	ssub.s32 @!p0 $0x0, s1;
	[sflag:s0] =	ssyncset.done @!p0 $0x0  }
0xa4: {  	[sflag:s0] =	ssyncadd.s32 @!p0 s1  }
0xa5: {  	[bflag:$0x3] =	sbarrier.arrive $0xFFFF  }
0xa6: {  	_ =	shalt  }

</sc_bundles>
